<compile_context>
chip_gen: v7x
topology: tpu7x:2x2x1
jax: 0.10.2.dev20260603
libtpu: 0.0.44.dev20260713+nightly
codegen_flags: <defaults>
</compile_context>

<pallas_src>
import functools

import jax
import jax.numpy as jnp
from jax import lax
from jax.experimental import pallas as pl
from jax.experimental.pallas import tpu as pltpu
from jax.experimental.pallas import tpu_sc as plsc

_TABLE = 1000
_B = 16384
_NC = 1
_NS = 16
_L = 16
_NW = _NC * _NS
_BPW = _B // _NW


def _body(t_hbm, betas_hbm, alphas_hbm, bars_hbm, out_hbm,
          idx_v, betas_v, alphas_v, bars_v, out_v, sem):
    wid = lax.axis_index("s") * _NC + lax.axis_index("c")
    base = wid * _BPW

    c0 = pltpu.make_async_copy(betas_hbm, betas_v, sem)
    c1 = pltpu.make_async_copy(alphas_hbm, alphas_v, sem)
    c2 = pltpu.make_async_copy(bars_hbm, bars_v, sem)
    c3 = pltpu.make_async_copy(t_hbm.at[pl.ds(base, _BPW)], idx_v, sem)
    c0.start(); c1.start(); c2.start(); c3.start()
    c0.wait(); c1.wait(); c2.wait(); c3.wait()

    lanes3 = lax.iota(jnp.int32, _L) * 3

    def step(j, carry):
        idx = idx_v[pl.ds(j * _L, _L)]
        beta = plsc.load_gather(betas_v, [idx])
        alpha = plsc.load_gather(alphas_v, [idx])
        bar = plsc.load_gather(bars_v, [idx])
        bar = jnp.minimum(jnp.maximum(bar, 0.0), 1.0)
        p = lanes3 + j * (_L * 3)
        plsc.store_scatter(out_v, [p], beta)
        plsc.store_scatter(out_v, [p + 1], alpha)
        plsc.store_scatter(out_v, [p + 2], bar)
        return carry

    lax.fori_loop(0, _BPW // _L, step, 0, unroll=4)

    pltpu.sync_copy(out_v, out_hbm.at[pl.ds(base * 3, _BPW * 3)])


_ddpm_lookup = functools.partial(
    pl.kernel,
    out_type=jax.ShapeDtypeStruct((_B * 3,), jnp.float32),
    mesh=plsc.VectorSubcoreMesh(core_axis_name="c", subcore_axis_name="s", num_cores=1),
    compiler_params=pltpu.CompilerParams(needs_layout_passes=False),
    scratch_types=[
        pltpu.VMEM((_BPW,), jnp.int32),
        pltpu.VMEM((_TABLE,), jnp.float32),
        pltpu.VMEM((_TABLE,), jnp.float32),
        pltpu.VMEM((_TABLE,), jnp.float32),
        pltpu.VMEM((_BPW * 3,), jnp.float32),
        pltpu.SemaphoreType.DMA,
    ],
)(_body)


@jax.jit
def kernel(T, all_betas, all_alphas, all_bar_alphas):
    flat = _ddpm_lookup(T, all_betas, all_alphas, all_bar_alphas)
    return flat.reshape(_B, 3)

# --- scband reference (transcript-rebuilt; emitter-appended) ---
"""Pipeline reference for scband-ddpmscheduler-87385404604590 (READ-ONLY COPY).

The authoritative reference and input builder live on the scoring server;
editing this copy changes nothing except your own understanding.
"""

import jax, jax.numpy as jnp
import numpy as np

TIMESTEPS = 1000
BETA_START = 1e-4
BETA_END = 0.02
BATCH = 16384


def setup_inputs(seed: int = 0) -> dict:
    key = jax.random.key(seed)
    T = jax.random.randint(key, (BATCH,), 0, TIMESTEPS, dtype=jnp.int32)
    # buffers built exactly as in DDPMScheduler.__init__ with schedule='linear'
    all_betas = jnp.linspace(BETA_START, BETA_END, TIMESTEPS, dtype=jnp.float32)
    all_alphas = 1.0 - all_betas
    all_bar_alphas = jnp.clip(jnp.cumprod(all_alphas, axis=0), 0.0, 1.0)
    return {
        "T": T,
        "all_betas": all_betas,
        "all_alphas": all_alphas,
        "all_bar_alphas": all_bar_alphas,
    }


def reference(T, all_betas, all_alphas, all_bar_alphas):
    # beta(T): gather + unsqueeze(-1)
    beta = jnp.take(all_betas, T, axis=0)[:, None]
    # alpha(T): gather + unsqueeze(-1)
    alpha = jnp.take(all_alphas, T, axis=0)[:, None]
    # bar_alpha(T): gather + clamp(0,1) + unsqueeze(-1)
    bar_alpha = jnp.clip(jnp.take(all_bar_alphas, T, axis=0), 0.0, 1.0)[:, None]
    # concatenate the three per-timestep schedule values into [B, 3]
    return jnp.concatenate([beta, alpha, bar_alpha], axis=-1)

if __name__ == "__main__":
    import jax
    _d = setup_inputs()
    print(jax.jit(kernel)(*tuple(_d.values())))

</pallas_src>

<mosaic_0001>
#map = affine_map<(d0, d1) -> (0)>
module attributes {stable_mosaic.version = 14 : i64} {
  func.func @_body(%arg0: i32, %arg1: i32, %arg2: memref<16384xi32, #tpu.memory_space<hbm>>, %arg3: memref<1000xf32, #tpu.memory_space<hbm>>, %arg4: memref<1000xf32, #tpu.memory_space<hbm>>, %arg5: memref<1000xf32, #tpu.memory_space<hbm>>, %arg6: memref<49152xf32, #tpu.memory_space<hbm>>, %arg7: memref<1024xi32, #tpu.memory_space<vmem>>, %arg8: memref<1000xf32, #tpu.memory_space<vmem>>, %arg9: memref<1000xf32, #tpu.memory_space<vmem>>, %arg10: memref<1000xf32, #tpu.memory_space<vmem>>, %arg11: memref<3072xf32, #tpu.memory_space<vmem>>, %arg12: memref<!tpu.dma_semaphore, #tpu.memory_space<semaphore_mem>>) attributes {dimension_semantics = [#tpu.dimension_semantics<core_parallel>, #tpu.dimension_semantics<subcore_parallel>], iteration_bounds = array<i64: 1, 16>, scalar_prefetch = 0 : i64, scratch_operands = 6 : i64, tpu.core_type = #tpu.core_type<sc_vector_subcore>, window_params = [{transform_indices = #map}, {transform_indices = #map}, {transform_indices = #map}, {transform_indices = #map}, {transform_indices = #map}]} {
    %mul3A = arith.constant 1 : i32
    %mul3A_0 = arith.muli %arg1, %mul3A : i32
    %add3A = arith.addi %mul3A_0, %arg0 : i32
    %mul3A_1 = arith.constant 1024 : i32
    %mul3A_2 = arith.muli %add3A, %mul3A_1 : i32
    tpu.enqueue_dma source(%arg3 : memref<1000xf32, #tpu.memory_space<hbm>>) target(%arg8 : memref<1000xf32, #tpu.memory_space<vmem>>) target_semaphore(%arg12 : memref<!tpu.dma_semaphore, #tpu.memory_space<semaphore_mem>>)
    tpu.enqueue_dma source(%arg4 : memref<1000xf32, #tpu.memory_space<hbm>>) target(%arg9 : memref<1000xf32, #tpu.memory_space<vmem>>) target_semaphore(%arg12 : memref<!tpu.dma_semaphore, #tpu.memory_space<semaphore_mem>>)
    tpu.enqueue_dma source(%arg5 : memref<1000xf32, #tpu.memory_space<hbm>>) target(%arg10 : memref<1000xf32, #tpu.memory_space<vmem>>) target_semaphore(%arg12 : memref<!tpu.dma_semaphore, #tpu.memory_space<semaphore_mem>>)
    %dma_start3A = tpu.memref_slice %arg2[%mul3A_2] : memref<16384xi32, #tpu.memory_space<hbm>> -> memref<1024xi32, #tpu.memory_space<hbm>>
    %dma_start3A_3 = tpu.memref_slice %arg2[%mul3A_2] : memref<16384xi32, #tpu.memory_space<hbm>> -> memref<1024xi32, #tpu.memory_space<hbm>>
    tpu.enqueue_dma source(%dma_start3A_3 : memref<1024xi32, #tpu.memory_space<hbm>>) target(%arg7 : memref<1024xi32, #tpu.memory_space<vmem>>) target_semaphore(%arg12 : memref<!tpu.dma_semaphore, #tpu.memory_space<semaphore_mem>>)
    tpu.wait_dma2 semaphore(%arg12 : memref<!tpu.dma_semaphore, #tpu.memory_space<semaphore_mem>>) src(%arg3 : memref<1000xf32, #tpu.memory_space<hbm>>) dst(%arg8 : memref<1000xf32, #tpu.memory_space<vmem>>)
    tpu.wait_dma2 semaphore(%arg12 : memref<!tpu.dma_semaphore, #tpu.memory_space<semaphore_mem>>) src(%arg4 : memref<1000xf32, #tpu.memory_space<hbm>>) dst(%arg9 : memref<1000xf32, #tpu.memory_space<vmem>>)
    tpu.wait_dma2 semaphore(%arg12 : memref<!tpu.dma_semaphore, #tpu.memory_space<semaphore_mem>>) src(%arg5 : memref<1000xf32, #tpu.memory_space<hbm>>) dst(%arg10 : memref<1000xf32, #tpu.memory_space<vmem>>)
    %dma_wait3A = tpu.memref_slice %arg2[%mul3A_2] : memref<16384xi32, #tpu.memory_space<hbm>> -> memref<1024xi32, #tpu.memory_space<hbm>>
    %dma_wait3A_4 = tpu.memref_slice %arg2[%mul3A_2] : memref<16384xi32, #tpu.memory_space<hbm>> -> memref<1024xi32, #tpu.memory_space<hbm>>
    tpu.wait_dma2 semaphore(%arg12 : memref<!tpu.dma_semaphore, #tpu.memory_space<semaphore_mem>>) src(%dma_wait3A_4 : memref<1024xi32, #tpu.memory_space<hbm>>) dst(%arg7 : memref<1024xi32, #tpu.memory_space<vmem>>)
    %iota3A = tpu.iota {dimensions = array<i32: 0>} : vector<16xi32>
    %mul3A_5 = arith.constant 3 : i32
    %mul3A_6 = vector.broadcast %mul3A_5 : i32 to vector<16xi32>
    %mul3A_7 = arith.muli %iota3A, %mul3A_6 : vector<16xi32>
    %scan3A = arith.constant 0 : i32
    %scan3A_8 = arith.constant 0 : i32
    %scan3A_9 = arith.constant 64 : i32
    %scan3A_10 = arith.addi %scan3A_8, %scan3A_9 : i32
    %scan3A_11 = arith.constant 4 : i32
    scf.for %scan3A_15 = %scan3A_8 to %scan3A_10 step %scan3A_11  : i32 {
      %mul3A_16 = arith.constant 16 : i32
      %mul3A_17 = arith.muli %scan3A_15, %mul3A_16 : i32
      %get3A = arith.index_cast %mul3A_17 : i32 to index
      %get3A_18 = tpu.vector_load %arg7[%get3A] {strides = array<i32>} : memref<1024xi32, #tpu.memory_space<vmem>>, vector<16xi32>,
      %gather3A = tpu.vector_load_idx %arg8[%get3A_18] : memref<1000xf32, #tpu.memory_space<vmem>>[vector<16xi32>], vector<16xf32>,
      %gather3A_19 = tpu.vector_load_idx %arg9[%get3A_18] : memref<1000xf32, #tpu.memory_space<vmem>>[vector<16xi32>], vector<16xf32>,
      %gather3A_20 = tpu.vector_load_idx %arg10[%get3A_18] : memref<1000xf32, #tpu.memory_space<vmem>>[vector<16xi32>], vector<16xf32>,
      %max3A = arith.constant 0.000000e+00 : f32
      %max3A_21 = vector.broadcast %max3A : f32 to vector<16xf32>
      %max3A_22 = arith.maximumf %gather3A_20, %max3A_21 : vector<16xf32>
      %min3A = arith.constant 1.000000e+00 : f32
      %min3A_23 = vector.broadcast %min3A : f32 to vector<16xf32>
      %min3A_24 = arith.minimumf %max3A_22, %min3A_23 : vector<16xf32>
      %mul3A_25 = arith.constant 48 : i32
      %mul3A_26 = arith.muli %scan3A_15, %mul3A_25 : i32
      %add3A_27 = vector.broadcast %mul3A_26 : i32 to vector<16xi32>
      %add3A_28 = arith.addi %mul3A_7, %add3A_27 : vector<16xi32>
      tpu.vector_store_idx %arg11[%add3A_28], %gather3A : memref<3072xf32, #tpu.memory_space<vmem>>[vector<16xi32>], vector<16xf32>,
      %add3A_29 = arith.constant 1 : i32
      %add3A_30 = vector.broadcast %add3A_29 : i32 to vector<16xi32>
      %add3A_31 = arith.addi %add3A_28, %add3A_30 : vector<16xi32>
      tpu.vector_store_idx %arg11[%add3A_31], %gather3A_19 : memref<3072xf32, #tpu.memory_space<vmem>>[vector<16xi32>], vector<16xf32>,
      %add3A_32 = arith.constant 2 : i32
      %add3A_33 = vector.broadcast %add3A_32 : i32 to vector<16xi32>
      %add3A_34 = arith.addi %add3A_28, %add3A_33 : vector<16xi32>
      tpu.vector_store_idx %arg11[%add3A_34], %min3A_24 : memref<3072xf32, #tpu.memory_space<vmem>>[vector<16xi32>], vector<16xf32>,
      %scan3A_35 = arith.constant 1 : i32
      %scan3A_36 = arith.addi %scan3A_15, %scan3A_35 : i32
      %mul3A_37 = arith.constant 16 : i32
      %mul3A_38 = arith.muli %scan3A_36, %mul3A_37 : i32
      %get3A_39 = arith.index_cast %mul3A_38 : i32 to index
      %get3A_40 = tpu.vector_load %arg7[%get3A_39] {strides = array<i32>} : memref<1024xi32, #tpu.memory_space<vmem>>, vector<16xi32>,
      %gather3A_41 = tpu.vector_load_idx %arg8[%get3A_40] : memref<1000xf32, #tpu.memory_space<vmem>>[vector<16xi32>], vector<16xf32>,
      %gather3A_42 = tpu.vector_load_idx %arg9[%get3A_40] : memref<1000xf32, #tpu.memory_space<vmem>>[vector<16xi32>], vector<16xf32>,
      %gather3A_43 = tpu.vector_load_idx %arg10[%get3A_40] : memref<1000xf32, #tpu.memory_space<vmem>>[vector<16xi32>], vector<16xf32>,
      %max3A_44 = arith.constant 0.000000e+00 : f32
      %max3A_45 = vector.broadcast %max3A_44 : f32 to vector<16xf32>
      %max3A_46 = arith.maximumf %gather3A_43, %max3A_45 : vector<16xf32>
      %min3A_47 = arith.constant 1.000000e+00 : f32
      %min3A_48 = vector.broadcast %min3A_47 : f32 to vector<16xf32>
      %min3A_49 = arith.minimumf %max3A_46, %min3A_48 : vector<16xf32>
      %mul3A_50 = arith.constant 48 : i32
      %mul3A_51 = arith.muli %scan3A_36, %mul3A_50 : i32
      %add3A_52 = vector.broadcast %mul3A_51 : i32 to vector<16xi32>
      %add3A_53 = arith.addi %mul3A_7, %add3A_52 : vector<16xi32>
      tpu.vector_store_idx %arg11[%add3A_53], %gather3A_41 : memref<3072xf32, #tpu.memory_space<vmem>>[vector<16xi32>], vector<16xf32>,
      %add3A_54 = arith.constant 1 : i32
      %add3A_55 = vector.broadcast %add3A_54 : i32 to vector<16xi32>
      %add3A_56 = arith.addi %add3A_53, %add3A_55 : vector<16xi32>
      tpu.vector_store_idx %arg11[%add3A_56], %gather3A_42 : memref<3072xf32, #tpu.memory_space<vmem>>[vector<16xi32>], vector<16xf32>,
      %add3A_57 = arith.constant 2 : i32
      %add3A_58 = vector.broadcast %add3A_57 : i32 to vector<16xi32>
      %add3A_59 = arith.addi %add3A_53, %add3A_58 : vector<16xi32>
      tpu.vector_store_idx %arg11[%add3A_59], %min3A_49 : memref<3072xf32, #tpu.memory_space<vmem>>[vector<16xi32>], vector<16xf32>,
      %scan3A_60 = arith.constant 2 : i32
      %scan3A_61 = arith.addi %scan3A_15, %scan3A_60 : i32
      %mul3A_62 = arith.constant 16 : i32
      %mul3A_63 = arith.muli %scan3A_61, %mul3A_62 : i32
      %get3A_64 = arith.index_cast %mul3A_63 : i32 to index
      %get3A_65 = tpu.vector_load %arg7[%get3A_64] {strides = array<i32>} : memref<1024xi32, #tpu.memory_space<vmem>>, vector<16xi32>,
      %gather3A_66 = tpu.vector_load_idx %arg8[%get3A_65] : memref<1000xf32, #tpu.memory_space<vmem>>[vector<16xi32>], vector<16xf32>,
      %gather3A_67 = tpu.vector_load_idx %arg9[%get3A_65] : memref<1000xf32, #tpu.memory_space<vmem>>[vector<16xi32>], vector<16xf32>,
      %gather3A_68 = tpu.vector_load_idx %arg10[%get3A_65] : memref<1000xf32, #tpu.memory_space<vmem>>[vector<16xi32>], vector<16xf32>,
      %max3A_69 = arith.constant 0.000000e+00 : f32
      %max3A_70 = vector.broadcast %max3A_69 : f32 to vector<16xf32>
      %max3A_71 = arith.maximumf %gather3A_68, %max3A_70 : vector<16xf32>
      %min3A_72 = arith.constant 1.000000e+00 : f32
      %min3A_73 = vector.broadcast %min3A_72 : f32 to vector<16xf32>
      %min3A_74 = arith.minimumf %max3A_71, %min3A_73 : vector<16xf32>
      %mul3A_75 = arith.constant 48 : i32
      %mul3A_76 = arith.muli %scan3A_61, %mul3A_75 : i32
      %add3A_77 = vector.broadcast %mul3A_76 : i32 to vector<16xi32>
      %add3A_78 = arith.addi %mul3A_7, %add3A_77 : vector<16xi32>
      tpu.vector_store_idx %arg11[%add3A_78], %gather3A_66 : memref<3072xf32, #tpu.memory_space<vmem>>[vector<16xi32>], vector<16xf32>,
      %add3A_79 = arith.constant 1 : i32
      %add3A_80 = vector.broadcast %add3A_79 : i32 to vector<16xi32>
      %add3A_81 = arith.addi %add3A_78, %add3A_80 : vector<16xi32>
      tpu.vector_store_idx %arg11[%add3A_81], %gather3A_67 : memref<3072xf32, #tpu.memory_space<vmem>>[vector<16xi32>], vector<16xf32>,
      %add3A_82 = arith.constant 2 : i32
      %add3A_83 = vector.broadcast %add3A_82 : i32 to vector<16xi32>
      %add3A_84 = arith.addi %add3A_78, %add3A_83 : vector<16xi32>
      tpu.vector_store_idx %arg11[%add3A_84], %min3A_74 : memref<3072xf32, #tpu.memory_space<vmem>>[vector<16xi32>], vector<16xf32>,
      %scan3A_85 = arith.constant 3 : i32
      %scan3A_86 = arith.addi %scan3A_15, %scan3A_85 : i32
      %mul3A_87 = arith.constant 16 : i32
      %mul3A_88 = arith.muli %scan3A_86, %mul3A_87 : i32
      %get3A_89 = arith.index_cast %mul3A_88 : i32 to index
      %get3A_90 = tpu.vector_load %arg7[%get3A_89] {strides = array<i32>} : memref<1024xi32, #tpu.memory_space<vmem>>, vector<16xi32>,
      %gather3A_91 = tpu.vector_load_idx %arg8[%get3A_90] : memref<1000xf32, #tpu.memory_space<vmem>>[vector<16xi32>], vector<16xf32>,
      %gather3A_92 = tpu.vector_load_idx %arg9[%get3A_90] : memref<1000xf32, #tpu.memory_space<vmem>>[vector<16xi32>], vector<16xf32>,
      %gather3A_93 = tpu.vector_load_idx %arg10[%get3A_90] : memref<1000xf32, #tpu.memory_space<vmem>>[vector<16xi32>], vector<16xf32>,
      %max3A_94 = arith.constant 0.000000e+00 : f32
      %max3A_95 = vector.broadcast %max3A_94 : f32 to vector<16xf32>
      %max3A_96 = arith.maximumf %gather3A_93, %max3A_95 : vector<16xf32>
      %min3A_97 = arith.constant 1.000000e+00 : f32
      %min3A_98 = vector.broadcast %min3A_97 : f32 to vector<16xf32>
      %min3A_99 = arith.minimumf %max3A_96, %min3A_98 : vector<16xf32>
      %mul3A_100 = arith.constant 48 : i32
      %mul3A_101 = arith.muli %scan3A_86, %mul3A_100 : i32
      %add3A_102 = vector.broadcast %mul3A_101 : i32 to vector<16xi32>
      %add3A_103 = arith.addi %mul3A_7, %add3A_102 : vector<16xi32>
      tpu.vector_store_idx %arg11[%add3A_103], %gather3A_91 : memref<3072xf32, #tpu.memory_space<vmem>>[vector<16xi32>], vector<16xf32>,
      %add3A_104 = arith.constant 1 : i32
      %add3A_105 = vector.broadcast %add3A_104 : i32 to vector<16xi32>
      %add3A_106 = arith.addi %add3A_103, %add3A_105 : vector<16xi32>
      tpu.vector_store_idx %arg11[%add3A_106], %gather3A_92 : memref<3072xf32, #tpu.memory_space<vmem>>[vector<16xi32>], vector<16xf32>,
      %add3A_107 = arith.constant 2 : i32
      %add3A_108 = vector.broadcast %add3A_107 : i32 to vector<16xi32>
      %add3A_109 = arith.addi %add3A_103, %add3A_108 : vector<16xi32>
      tpu.vector_store_idx %arg11[%add3A_109], %min3A_99 : memref<3072xf32, #tpu.memory_space<vmem>>[vector<16xi32>], vector<16xf32>,
    }
    %scan3A_12 = arith.constant 64 : i32
    %mul3A_13 = arith.constant 3 : i32
    %mul3A_14 = arith.muli %mul3A_2, %mul3A_13 : i32
    "tpu.region"() ({
      %run_scoped3A = tpu.sem_alloc : memref<!tpu.dma_semaphore, #tpu.memory_space<semaphore_mem>>
      %dma_start3A_15 = tpu.memref_slice %arg6[%mul3A_14] : memref<49152xf32, #tpu.memory_space<hbm>> -> memref<3072xf32, #tpu.memory_space<hbm>>
      %dma_start3A_16 = tpu.memref_slice %arg6[%mul3A_14] : memref<49152xf32, #tpu.memory_space<hbm>> -> memref<3072xf32, #tpu.memory_space<hbm>>
      tpu.enqueue_dma source(%arg11 : memref<3072xf32, #tpu.memory_space<vmem>>) target(%dma_start3A_16 : memref<3072xf32, #tpu.memory_space<hbm>>) target_semaphore(%run_scoped3A : memref<!tpu.dma_semaphore, #tpu.memory_space<semaphore_mem>>)
      %dma_wait3A_17 = tpu.memref_slice %arg6[%mul3A_14] : memref<49152xf32, #tpu.memory_space<hbm>> -> memref<3072xf32, #tpu.memory_space<hbm>>
      %dma_wait3A_18 = tpu.memref_slice %arg6[%mul3A_14] : memref<49152xf32, #tpu.memory_space<hbm>> -> memref<3072xf32, #tpu.memory_space<hbm>>
      tpu.wait_dma2 semaphore(%run_scoped3A : memref<!tpu.dma_semaphore, #tpu.memory_space<semaphore_mem>>) src(%arg11 : memref<3072xf32, #tpu.memory_space<vmem>>) dst(%dma_wait3A_18 : memref<3072xf32, #tpu.memory_space<hbm>>)
      tpu.yield
    }) : () -> ()
    return
  }
}

</mosaic_0001>

<sc_bundles>
// kernel: kernel.3.cloned.1.call-start
scs
__scs_entry_jumppad:
0x0: {  	(pc) =	sbr.rel $0x88, $3  }
0x1: {  	(tag) =	ssettag $0x0;
	lr =	simm.s32 $0x1  }
0x2: {  	[smem:$0x3F9D] =	sst lr;
	_ =	strace $0xD0000000  }
0x3: {  	_ = 	snop  }
0x4: {  	_ = 	snop  }
0x5: {  	_ = 	snop  }
0x6: {  	_ = 	snop  }
0x7: {  	_ = 	snop  }
__scs_overlays_trampoline_lowered:
0x8: {  	[smem:$0x3FAC] =	sst s0  }
0x9: {  	[smem:$0x3FAD] =	sst s1  }
0xa: {  	[smem:$0x3FAE] =	sst s2  }
0xb: {  	[smem:$0x3FAF] =	sst s3  }
0xc: {  	[smem:$0x3FB0] =	sst s4  }
0xd: {  	[smem:$0x3FB1] =	sst s5  }
0xe: {  	[smem:$0x3FB2] =	sst s6  }
0xf: {  	[smem:$0x3FB3] =	sst s7  }
0x10: {  	[smem:$0x3FB4] =	sst s8  }
0x11: {  	[smem:$0x3FB5] =	sst s9;
	s0 =	simm.s32 @!p0 $0x0  }
0x12: {  	s1 =	sld [smem:$0x3F9B];
	s0 =	simm.s32 @p0 $0x1  }
0x13: {  	[smem:$0x3FB6] =	sst s0;
	s0 =	simm.s32 @!p1 $0x0  }
0x14: {  	s2 =	sld [smem:$0x3F9A];
	s0 =	simm.s32 @p1 $0x1  }
0x15: {  	[smem:$0x3FB7] =	sst s0;
	s0 =	simm.s32 @!p2 $0x0  }
0x16: {  	s3 =	sld [smem:$0x3FDB];
	s0 =	simm.s32 @p2 $0x1  }
0x17: {  	s4 =	simm.s32 $0x1BF5;
	[smem:$0x3FB9] =	sst s0  }
0x18: {  	s0 =	sld [smem:$0x3F9C];
	_ =	swait.ge [sflag:s4], $0x0  }
0x19: {  	s7 =	sld [smem:$0x3F9D]  }
0x1a: {  	s8 =	sadd.s32 $0xFFFFE003, lr  }
0x1b: {  	s9 =	sadd.s32 $0xFFFFFEF7, lr;
	s5 =	simm.s32 $0xFFFFFFFF;
	p2 =	slt.u32 s8, $0xFFFFF086  }
0x1c: {  	p1 =	slt.u32 s9, $0xF7A;
	s5 =	simm.s32 @!p2 $0x0  }
0x1d: {  	s5 =	simm.s32 @p1 $0x1;
	p0 =	seq.s32 s7, s2  }
0x1e: {  	s7 =	smul.u32 @!p0 $0xF7A, s2;
	p2 =	seq.s32 @!p0 s5, $0x0  }
0x1f: {  	s9 =	smul.u32 $0xF7A, s1;
	s8 =	simm.s32 @!p0 $0x1BF5;
	p2 =	por !p2, p0  }
0x20: {  	[sflag:s8] =	ssyncset.s32 @!p0 $0xFFFFF086;
	s6 =	sadd.s32 @!p0 s3, s7;
	s7 =	simm.s32 @!p0 $0x108  }
0x21: {  	s3 =	sadd.s32 s3, s9;
	s6 =	sadd.s32 @!p0 $0x88, s6;
	s7 =	simm.s32 @p2 $0x1082  }
0x22: {  	[simem:s7], [sflag:s8] =	dma.local @!p0 [hbm:s6], $0xF7A  }
0x23: {  	s9 =	sor.u32 $0xD0000000, s2;
	s6 =	simm.s32 $0x108;
	_ =	swait.ge @!p0 [sflag:s8], $0x0  }
0x24: {  	s3 =	sadd.s32 $0x88, s3;
	s6 =	simm.s32 @!p1 $0x1082;
	[sflag:s4] =	ssyncset.s32 $0xFFFFF086  }
0x25: {  	[simem:s6], [sflag:s4] =	dma.local [hbm:s3], $0xF7A  }
0x26: {  	[smem:$0x3F9D] =	sst s1;
	(tag) =	ssettag s2;
	_ =	strace s9  }
0x27: {  	s1 =	sld [smem:$0x3FAD]  }
0x28: {  	s2 =	sld [smem:$0x3FAE]  }
0x29: {  	s4 =	sld [smem:$0x3FB0]  }
0x2a: {  	p0 =	seq.s32 s5, $0x0;
	s5 =	sld [smem:$0x3FB1]  }
0x2b: {  	s6 =	sld [smem:$0x3FB2]  }
0x2c: {  	s7 =	sld [smem:$0x3FB3]  }
0x2d: {  	s3 =	simm.s32 $0x108;
	s8 =	sld [smem:$0x3FB4]  }
0x2e: {  	s3 =	simm.s32 @!p0 $0x1082;
	s9 =	sld [smem:$0x3FB5]  }
0x2f: {  	lr =	sadd.s32 s0, s3;
	s0 =	sld [smem:$0x3FAC]  }
0x30: {  	s3 =	sld [smem:$0x3FAF]  }
0x31: {  	[smem:$0x3FB8] =	sst s10  }
0x32: {  	s10 =	sld [smem:$0x3FB6];
	_ =	sdelay $0x3  }
0x33: {  	p0 =	seq.s32 s10, $0x1;
	s10 =	sld [smem:$0x3FB8];
	_ =	sdelay $0x3  }
0x34: {  	[smem:$0x3FB8] =	sst s10  }
0x35: {  	s10 =	sld [smem:$0x3FB7];
	_ =	sdelay $0x3  }
0x36: {  	p1 =	seq.s32 s10, $0x1;
	s10 =	sld [smem:$0x3FB8];
	_ =	sdelay $0x3  }
0x37: {  	[smem:$0x3FB8] =	sst s10  }
0x38: {  	s10 =	sld [smem:$0x3FB9]  }
0x39: {  	_ = 	snop;
	(pc) =	sbr.ind lr, $3  }
0x3a: {  	_ = 	snop  }
0x3b: {  	_ = 	snop  }
0x3c: {  	p2 =	seq.s32 s10, $0x1;
	s10 =	sld [smem:$0x3FB8]  }
0x3d: {  	_ =	shalt  }
0x3e: {  	_ =	shalt  }
0x3f: {  	_ =	shalt  }
0x40: {  	_ =	shalt  }
0x41: {  	_ =	shalt  }
0x42: {  	_ =	shalt  }
0x43: {  	_ =	shalt  }
0x44: {  	_ =	shalt  }
0x45: {  	_ =	shalt  }
0x46: {  	_ =	shalt  }
0x47: {  	_ =	shalt  }
0x48: {  	_ =	shalt  }
0x49: {  	_ =	shalt  }
0x4a: {  	_ =	shalt  }
0x4b: {  	_ =	shalt  }
0x4c: {  	_ =	shalt  }
0x4d: {  	_ =	shalt  }
0x4e: {  	_ =	shalt  }
0x4f: {  	_ =	shalt  }
0x50: {  	_ =	shalt  }
0x51: {  	_ =	shalt  }
0x52: {  	_ =	shalt  }
0x53: {  	_ =	shalt  }
0x54: {  	_ =	shalt  }
0x55: {  	_ =	shalt  }
0x56: {  	_ =	shalt  }
0x57: {  	_ =	shalt  }
0x58: {  	_ =	shalt  }
0x59: {  	_ =	shalt  }
0x5a: {  	_ =	shalt  }
0x5b: {  	_ =	shalt  }
0x5c: {  	_ =	shalt  }
0x5d: {  	_ =	shalt  }
0x5e: {  	_ =	shalt  }
0x5f: {  	_ =	shalt  }
0x60: {  	_ =	shalt  }
0x61: {  	_ =	shalt  }
0x62: {  	_ =	shalt  }
0x63: {  	_ =	shalt  }
0x64: {  	_ =	shalt  }
0x65: {  	_ =	shalt  }
0x66: {  	_ =	shalt  }
0x67: {  	_ =	shalt  }
0x68: {  	_ =	shalt  }
0x69: {  	_ =	shalt  }
0x6a: {  	_ =	shalt  }
0x6b: {  	_ =	shalt  }
0x6c: {  	_ =	shalt  }
0x6d: {  	_ =	shalt  }
0x6e: {  	_ =	shalt  }
0x6f: {  	_ =	shalt  }
0x70: {  	_ =	shalt  }
0x71: {  	_ =	shalt  }
0x72: {  	_ =	shalt  }
0x73: {  	_ =	shalt  }
0x74: {  	_ =	shalt  }
0x75: {  	_ =	shalt  }
0x76: {  	_ =	shalt  }
0x77: {  	_ =	shalt  }
0x78: {  	_ =	shalt  }
0x79: {  	_ =	shalt  }
0x7a: {  	_ =	shalt  }
0x7b: {  	_ =	shalt  }
0x7c: {  	_ =	shalt  }
0x7d: {  	_ =	shalt  }
0x7e: {  	_ =	shalt  }
0x7f: {  	_ =	shalt  }
0x80: {  	_ =	shalt  }
0x81: {  	_ =	shalt  }
0x82: {  	_ =	shalt  }
0x83: {  	_ =	shalt  }
0x84: {  	_ =	shalt  }
0x85: {  	_ =	shalt  }
0x86: {  	_ =	shalt  }
0x87: {  	_ =	shalt  }
.Lfunc_end0:
.L_simem_size_0:
called_computation_lowered:
.L_overlay_start_0:
0x88: {  	s0 =	sld [smem:$0x3FD9]  }
0x89: {  	s1 =	sld [smem:$0x3FFE];
	_ =	sdelay $0x3  }
0x8a: {  	s0 =	sadd.s32 s1, s0  }
0x8b: {  	[smem:$0x3FC4] =	sst s0  }
0x8c: {  	_ = 	snop  }
0x8d: {  	s0 =	sld [smem:$0x3FC9]  }
0x8e: {  	s17 =	sld [smem:$0x3FC8]  }
0x8f: {  	s2 =	sld [smem:$0x3FC7]  }
0x90: {  	s3 =	sld [smem:$0x3FC6]  }
0x91: {  	s4 =	sld [smem:$0x3FD0];
	(tm) =	ssettm $0x1  }
0x92: {  	s5 =	sld [smem:$0x3FFB];
	_ =	sdelay $0x3  }
0x93: {  	_ =	strace s5  }
0x94: {  	s5 =	sld [smem:$0x3FFC];
	_ =	sdelay $0x3  }
0x95: {  	_ =	strace s5  }
0x96: {  	s5 =	sld [smem:$0x3FFD];
	_ =	sdelay $0x3  }
0x97: {  	_ =	strace s5  }
0x98: {  	_ =	strace $0x8FFFFFFF  }
0x99: {  	s18 =	sld [smem:$0x3FDB];
	_ =	sdelay $0x1  }
0x9a: {  	s6 =	simm.s32 $_scs_section_size  }
0x9b: {  	s7 =	simm.s32 $_size__tile_overlayer_lowered;
	s8 =	simm.s32 $_tile_overlayer_lowered  }
0x9c: {  	s21 =	simm.s32 $0x1BFF;
	s20 =	sshll.u32 s8, $0x1;
	s5 =	sadd.s32 s6, s18  }
0x9d: {  	s9 =	simm.s32 $0x0;
	s19 =	sshll.u32 s7, $0x1;
	s7 =	sadd.s32 s20, s5  }
0x9e: {  	[timem:s9], [sflag:s21] =	dma.local [hbm:s7], s19  }
0x9f: {  	_ =	swait.ge [sflag:s21], s19  }
0xa0: {  	s6 =	ssub.s32 $0x0, s19;
	[sflag:s21] =	ssyncset.done $0x0  }
0xa1: {  	[sflag:s21] =	ssyncadd.s32 s6;
	_ =	sdelay $0x1  }
0xa2: {  	s22 =	simm.s32 $0x1B8B  }
0xa3: {  	_ =	swait.ge [sflag:s22], $0x1  }
0xa4: {  	[sflag:s22] =	ssyncset.done $0x0  }
0xa5: {  	s23 =	simm.s32 $0x1B8E;
	[sflag:s22] =	ssyncadd.s32 $0xFFFFFFFF  }
0xa6: {  	s24 =	simm.s32 $execute0_lowered;
	[smem:$0x3FD2] =	sst s23  }
0xa7: {  	s6 =	sshll.u32 s24, $0x1;
	_ =	strace $0x80000046;
	[dreg:$0x1] =	wrdreg $0xFFFFFFFF  }
0xa8: {  	s25 =	simm.s32 $_size_execute0_lowered;
	s5 =	sadd.s32 s5, s6;
	[dreg:$0x0] =	wrdreg $0x0  }
0xa9: {  	s6 =	sshll.u32 s25, $0x1;
	[dreg:$0x2] =	wrdreg s5  }
0xaa: {  	[dreg:$0x3] =	wrdreg s6  }
0xab: {  	[dreg:$0x4] =	wrdreg $0xC0  }
0xac: {  	_ =	task [dreg:s9], $0x5FFFF  }
0xad: {  	[dreg:$0x1] =	wrdreg $0xFFFFFFFF  }
0xae: {  	[dreg:$0x0] =	wrdreg $0x60  }
0xaf: {  	[dreg:$0x2] =	wrdreg s0  }
0xb0: {  	[dreg:$0x3] =	wrdreg s17  }
0xb1: {  	[dreg:$0x4] =	wrdreg s2  }
0xb2: {  	[dreg:$0x5] =	wrdreg s3  }
0xb3: {  	[dreg:$0x6] =	wrdreg s4  }
0xb4: {  	[dreg:$0x7] =	wrdreg $0x9  }
0xb5: {  	_ =	task.clear_ibuf [dreg:s9], $0x8FFFF;
	_ =	strace $0x90000046  }
0xb6: {  	s26 =	simm.s32 $0x9;
	_ =	strace $0x80000048  }
0xb7: {  	_ =	swait.ge [sflag:s26], $0x1  }
0xb8: {  	[sflag:s26] =	ssyncadd.s32 $0xFFFFFFFF  }
0xb9: {  	_ =	strace $0x90000048  }
0xba: {  	_ =	sfence  }
0xbb: {  	s28 =	sld [smem:$0x0];
	_ =	sdelay $0x1  }
0xbc: {  	s29 =	srdreg.scid  }
0xbd: {  	s30 =	sshll.u32 s29, $0xD;
	s31 =	sshrl.u32 s29, $0x2  }
0xbe: {  	s1 =	sand.u32 $0x1, s29;
	s2 =	sand.u32 $0x4000, s30;
	s0 =	sadd.s32 s31, s28  }
0xbf: {  	s1 =	sor.u32 s2, s1;
	s0 =	sshll.u32 s0, $0x11  }
0xc0: {  	s0 =	sor.u32 s0, s1  }
0xc1: {  	s0 =	sadd.s32 $0x8F2B, s0  }
0xc2: {  	[sflag:s0] =	ssyncadd.remote.s32 $0x1  }
0xc3: {  	_ =	sfence.sel $0xFFFF  }
0xc4: {  	[dreg:$0x0] =	wrdreg $0xFFFFFFFF;
	(pc) =	sbr.abs _section_cstart, $3  }
0xc5: {  	[dreg:$0x1] =	wrdreg $0xFFFFFFFF  }
0xc6: {  	_ =	task.clear_ibuf [dreg:s9], $0x2FFFF;
	_ =	strace $0x9FFFFFFF  }
0xc7: {  	(tm) =	ssettm $0x7FFFFFFF  }
tec
execute0_lowered:
.L_overlay_start_1:
0x0: {  	(tag) =	ssettag $0x1  }
0x1: {  	s7 =	rddreg [dreg:$0x0]  }
0x2: {  	s1 =	rddreg [dreg:$0x1]  }
0x3: {  	s6 =	rddreg [dreg:$0x2]  }
0x4: {  	s8 =	rddreg [dreg:$0x3]  }
0x5: {  	s2 =	rddreg [dreg:$0x4];
	s3 =	simm.s32 $0x0  }
0x6: {  	[smem:$0x7FF] =	sst s3  }
0x7: {  	s0 =	rddreg [dreg:$0x5];
	s4 =	simm.s32 $0x400;
	_ =	strace $0x80000047  }
0x8: {  	[tilespmem:s4], [sflag:$0x1] =	stream.linear.gather [hbm4b:s1+s3], $0x400, $0x38;
	[tilespmem:$0x1C00] =	vst v63  }
0x9: {  	s5 =	simm.s32 $0x800;
	s1 =	stileid.u32  }
0xa: {  	[tilespmem:s5], [sflag:$0x1] =	stream.linear.gather [hbm4b:s6+s3], $0x400, $0x38;
	[tilespmem:$0x1C00] =	vst v63  }
0xb: {  	s9 =	sshll.u32 s1, $0x7;
	s6 =	simm.s32 $0xC00  }
0xc: {  	[tilespmem:s6], [sflag:$0x1] =	stream.linear.gather [hbm4b:s8+s3], $0x400, $0x38;
	[tilespmem:$0x1C00] =	vst v63  }
0xd: {  	s31 =	simm.s32 $0x1;
	s7 =	sadd.s32 s7, s9  }
0xe: {  	[tilespmem:s3], [sflag:$0x1] =	stream.linear.gather [hbm4b:s7+s3], $0x400, $0x38;
	[tilespmem:$0x1C00] =	vst v63  }
0xf: {  	_ =	swait.ge [sflag:s31], $0x400  }
0x10: {  	[sflag:s31] =	ssyncset.done $0x0  }
0x11: {  	[sflag:s31] =	ssyncadd.s32 $0xFFFFFC00  }
0x12: {  	_ =	swait.ge [sflag:s31], $0x400  }
0x13: {  	[sflag:s31] =	ssyncset.done $0x0  }
0x14: {  	[sflag:s31] =	ssyncadd.s32 $0xFFFFFC00  }
0x15: {  	_ =	swait.ge [sflag:s31], $0x400  }
0x16: {  	[sflag:s31] =	ssyncset.done $0x0  }
0x17: {  	v0 =	vlaneseq.u32;
	[sflag:s31] =	ssyncadd.s32 $0xFFFFFC00  }
0x18: {  	v0 =	vmul.u32 $0x3, v0;
	_ =	swait.ge [sflag:s31], $0x400  }
0x19: {  	s9 =	simm.s32 $0x1000;
	[sflag:s31] =	ssyncset.done $0x0  }
0x1a: {  	v1 =	vadd.s32 $0x1, v0;
	v2 =	vadd.s32 $0x2, v0;
	s8 =	simm.s32 $0x20;
	s7 =	simm.s32 $0xFFFFFFFC;
	[sflag:s31] =	ssyncadd.s32 $0xFFFFFC00  }
.LBB2_1:
0x1b: {  	v3 =	vld [tilespmem:s8+$0xFFFFFFE0];
	_ =	sdelay $0x7  }
0x1c: {  	v4 =	vld.idx.msk [tilespmem:v3+s4+$0x0], $0xffff  }
0x1d: {  	v6 =	vor.u32 s3, v0;
	v5 =	vld.idx.msk [tilespmem:v3+s6+$0x0], $0xffff  }
0x1e: {  	v7 =	vor.u32 s3, v1;
	v3 =	vld.idx.msk [tilespmem:v3+s5+$0x0], $0xffff  }
0x1f: {  	v8 =	vor.u32 s3, v2;
	_ =	sdelay $0x2  }
0x20: {  	v5 =	vmax.f32 v5, $0.0e+00;
	[tilespmem:v6+s9+$0x0] =	vst.idx.msk $0xffff, v4  }
0x21: {  	v48 =	vmin.f32 v5, $1.000000000e+00;
	[tilespmem:v7+s9+$0x0] =	vst.idx.msk $0xffff, v3  }
0x22: {  	[tilespmem:v8+s9+$0x0] =	vst.idx.msk $0xffff, v48  }
0x23: {  	v3 =	vld [tilespmem:s8+$0xFFFFFFF0];
	_ =	sdelay $0x7  }
0x24: {  	s10 =	sadd.s32 $0x30, s3;
	v4 =	vld.idx.msk [tilespmem:v3+s4+$0x0], $0xffff  }
0x25: {  	v50 =	vadd.s32 s10, v0;
	v49 =	vld.idx.msk [tilespmem:v3+s6+$0x0], $0xffff  }
0x26: {  	v51 =	vadd.s32 s10, v1;
	v3 =	vld.idx.msk [tilespmem:v3+s5+$0x0], $0xffff  }
0x27: {  	v52 =	vadd.s32 s10, v2;
	_ =	sdelay $0x2  }
0x28: {  	v5 =	vmax.f32 v49, $0.0e+00;
	[tilespmem:v50+s9+$0x0] =	vst.idx.msk $0xffff, v4  }
0x29: {  	v53 =	vmin.f32 v5, $1.000000000e+00;
	[tilespmem:v51+s9+$0x0] =	vst.idx.msk $0xffff, v3  }
0x2a: {  	[tilespmem:v52+s9+$0x0] =	vst.idx.msk $0xffff, v53  }
0x2b: {  	v3 =	vld [tilespmem:s8+$0x0];
	_ =	sdelay $0x7  }
0x2c: {  	s30 =	sadd.s32 $0x60, s3;
	v4 =	vld.idx.msk [tilespmem:v3+s4+$0x0], $0xffff  }
0x2d: {  	v55 =	vadd.s32 s30, v0;
	v54 =	vld.idx.msk [tilespmem:v3+s6+$0x0], $0xffff  }
0x2e: {  	v56 =	vadd.s32 s30, v1;
	v3 =	vld.idx.msk [tilespmem:v3+s5+$0x0], $0xffff  }
0x2f: {  	v57 =	vadd.s32 s30, v2;
	_ =	sdelay $0x2  }
0x30: {  	v5 =	vmax.f32 v54, $0.0e+00;
	[tilespmem:v55+s9+$0x0] =	vst.idx.msk $0xffff, v4  }
0x31: {  	v58 =	vmin.f32 v5, $1.000000000e+00;
	[tilespmem:v56+s9+$0x0] =	vst.idx.msk $0xffff, v3  }
0x32: {  	[tilespmem:v57+s9+$0x0] =	vst.idx.msk $0xffff, v58  }
0x33: {  	v3 =	vld [tilespmem:s8+$0x10];
	_ =	sdelay $0x7  }
0x34: {  	s31 =	sadd.s32 $0x90, s3;
	v4 =	vld.idx.msk [tilespmem:v3+s4+$0x0], $0xffff  }
0x35: {  	v60 =	vadd.s32 s31, v0;
	v59 =	vld.idx.msk [tilespmem:v3+s6+$0x0], $0xffff  }
0x36: {  	s7 =	sadd.s32 $0x4, s7;
	v61 =	vadd.s32 s31, v1;
	v3 =	vld.idx.msk [tilespmem:v3+s5+$0x0], $0xffff  }
0x37: {  	v62 =	vadd.s32 s31, v2;
	p0 =	slt.u32 s7, $0x3C  }
.Ltmp0:
0x38: {  	_ = 	snop;
	(pc) =	sbr.rel @p0 .LBB2_1-.Ltmp0, $4  }
0x39: {  	_ = 	snop  }
0x3a: {  	[tilespmem:v60+s9+$0x0] =	vst.idx.msk $0xffff, v4;
	v63 =	vmax.f32 v59, $0.0e+00  }
0x3b: {  	v4 =	vmin.f32 v63, $1.000000000e+00;
	[tilespmem:v61+s9+$0x0] =	vst.idx.msk $0xffff, v3  }
0x3c: {  	s3 =	sadd.s32 $0xC0, s3;
	s8 =	sadd.s32 $0x40, s8;
	[tilespmem:v62+s9+$0x0] =	vst.idx.msk $0xffff, v4  }
0x3d: {  	s3 =	smul.u32 $0x180, s1  }
0x3e: {  	s30 =	simm.s32 $0x0  }
0x3f: {  	s4 =	simm.s32 $0x1000;
	s31 =	simm.s32 $0x2;
	s2 =	sadd.s32 s2, s3  }
0x40: {  	[hbm4b:s2+s30] =	stream.linear.scatter [tilespmem:s4], [sflag:$0x2], $0xC00, $0x38;
	[tilespmem:$0x1C00] =	vst v63  }
0x41: {  	_ =	swait.ge [sflag:s31], $0xC00  }
0x42: {  	[sflag:s31] =	ssyncset.done $0x0  }
0x43: {  	[sflag:s31] =	ssyncadd.s32 $0xFFFFF400  }
0x44: {  	_ =	sfence.sel $0x180000  }
0x45: {  	[bflag:$0x0] =	sbarrier.arrive $0xFFFF  }
0x46: {  	p0 =	sne.s32 s1, $0x0;
	_ =	strace $0x90000047  }
0x47: {  	s0 =	sadd.s32 @!p0 $0x100000, s0;
	[bflag:$0x2] =	sbarrier.arrive $0xFFFF  }
0x48: {  	[sflag:s0] =	ssyncadd.tile.s32 @!p0 $0x1;
	_ =	shalt  }
.Lfunc_end2:
_tile_overlayer_lowered:
.L_overlay_start_2:
0x49: {  	(tag) =	ssettag $0x2  }
0x4a: {  	s0 =	rddreg [dreg:$0x0];
	s2 =	stileid.u32  }
0x4b: {  	s1 =	rddreg [dreg:$0x1];
	p0 =	sne.s32 s2, $0x0  }
0x4c: {  	s3 =	rddreg [dreg:$0x2];
	[bflag:$0x3] =	sbarrier.arrive $0xFFFF;
	s2 =	simm.s32 @!p0 $0x1C02  }
0x4d: {  	[timem:s3], [sflag:s2] =	dma.local @!p0 [hbm:s0], s1  }
0x4e: {  	s0 =	simm.s32 @!p0 $0x2  }
0x4f: {  	_ =	swait.ge @!p0 [sflag:s0], s1  }
0x50: {  	s1 =	ssub.s32 @!p0 $0x0, s1;
	[sflag:s0] =	ssyncset.done @!p0 $0x0  }
0x51: {  	[sflag:s0] =	ssyncadd.s32 @!p0 s1  }
0x52: {  	[bflag:$0x3] =	sbarrier.arrive $0xFFFF  }
0x53: {  	_ =	shalt  }

</sc_bundles>
